<compile_context>
chip_gen: v7x
topology: tpu7x:2x2x1
jax: 0.10.2.dev20260603
libtpu: 0.0.44.dev20260713+nightly
codegen_flags: <defaults>
</compile_context>

<pallas_src>
import jax
import jax.numpy as jnp
from jax import lax
from jax.experimental import pallas as pl
from jax.experimental.pallas import tpu as pltpu
from jax.experimental.pallas import tpu_sc as plsc

_D = 1024
_SEQ = 4096
_NW = 32
_BPW = 512
_WPR = _SEQ // _BPW
_C = 32
_NCHUNK = _BPW // _C


def _gather_body(idx_hbm, table_hbm, out_hbm, idx_v, buf0, buf1, g0, g1, w0, w1):
    wid = lax.axis_index("s") * 2 + lax.axis_index("c")
    r = wid // _WPR
    c0 = (wid % _WPR) * _BPW
    pltpu.sync_copy(idx_hbm.at[r, pl.ds(c0, _BPW)], idx_v)

    def start_gather(j, buf, sem):
        pltpu.async_copy(table_hbm.at[idx_v.at[pl.ds(j * _C, _C)]], buf, sem)

    def wait_gather(buf, sem):
        pltpu.make_async_copy(table_hbm.at[idx_v.at[pl.ds(0, _C)]], buf, sem).wait()

    def start_write(j, buf, sem):
        pltpu.async_copy(buf, out_hbm.at[r, pl.ds(c0 + j * _C, _C)], sem)

    def wait_write(buf, sem):
        pltpu.make_async_copy(buf, out_hbm.at[r, pl.ds(c0, _C)], sem).wait()

    start_gather(0, buf0, g0)
    start_gather(1, buf1, g1)
    wait_gather(buf0, g0)
    start_write(0, buf0, w0)

    def steady(g, _):
        j = 2 * g
        wait_gather(buf1, g1)
        start_write(j + 1, buf1, w1)
        wait_write(buf0, w0)
        start_gather(j + 2, buf0, g0)
        wait_write(buf1, w1)
        start_gather(j + 3, buf1, g1)
        wait_gather(buf0, g0)
        start_write(j + 2, buf0, w0)
        return _

    lax.fori_loop(0, _NCHUNK // 2 - 1, steady, None)

    wait_gather(buf1, g1)
    start_write(_NCHUNK - 1, buf1, w1)
    wait_write(buf0, w0)
    wait_write(buf1, w1)


def kernel(token_positions, embeddings):
    mesh = plsc.VectorSubcoreMesh(core_axis_name="c", subcore_axis_name="s")
    f = pl.kernel(
        _gather_body,
        out_type=jax.ShapeDtypeStruct((4, _SEQ, _D), jnp.float32),
        mesh=mesh,
        scratch_types=[
            pltpu.VMEM((_BPW,), jnp.int32),
            pltpu.VMEM((_C, _D), jnp.float32),
            pltpu.VMEM((_C, _D), jnp.float32),
            pltpu.SemaphoreType.DMA,
            pltpu.SemaphoreType.DMA,
            pltpu.SemaphoreType.DMA,
            pltpu.SemaphoreType.DMA,
        ],
    )
    return f(token_positions, embeddings)

# --- scband reference (transcript-rebuilt; emitter-appended) ---
"""Pipeline reference for scband-sinusoidal-positional-encoding-20830591386314 (READ-ONLY COPY).

The authoritative reference and input builder live on the scoring server;
editing this copy changes nothing except your own understanding.
"""

import math
import jax, jax.numpy as jnp
import numpy as np

D_MODEL = 1024
MAX_SEQ_LEN = 8192

def make_embeddings(d_model, max_seq_len):
    indices = jnp.arange(0.0, d_model, 2.0, dtype=jnp.float32)
    denoms = jnp.exp(math.log(10000.0) * indices / d_model)
    numers = jnp.arange(max_seq_len, dtype=jnp.float32)[:, None]
    emb = jnp.zeros((max_seq_len, d_model), dtype=jnp.float32)
    emb = emb.at[:, 0::2].set(jnp.sin(numers / denoms))
    if d_model % 2 != 0:
        emb = emb.at[:, 1::2].set(jnp.cos(numers / denoms[:-1]))
    else:
        emb = emb.at[:, 1::2].set(jnp.cos(numers / denoms))
    return emb

def setup_inputs(seed: int = 0) -> dict:
    key = jax.random.key(seed)
    token_positions = jax.random.randint(key, (4, 4096), 0, MAX_SEQ_LEN)
    embeddings = make_embeddings(D_MODEL, MAX_SEQ_LEN)
    return {"token_positions": token_positions, "embeddings": embeddings}

def reference(token_positions, embeddings):
    # forward: gather rows of the positional-encoding buffer
    return jnp.take(embeddings, token_positions, axis=0)

if __name__ == "__main__":
    import jax
    _d = setup_inputs()
    print(jax.jit(kernel)(*tuple(_d.values())))

</pallas_src>

<mosaic_0001>
#map = affine_map<(d0, d1) -> (0, 0)>
#map1 = affine_map<(d0, d1) -> (0, 0, 0)>
module attributes {stable_mosaic.version = 14 : i64} {
  func.func @_gather_body(%arg0: i32, %arg1: i32, %arg2: memref<4x4096xi32, #tpu.memory_space<hbm>>, %arg3: memref<8192x1024xf32, #tpu.memory_space<hbm>>, %arg4: memref<4x4096x1024xf32, #tpu.memory_space<hbm>>, %arg5: memref<512xi32, #tpu.memory_space<vmem>>, %arg6: memref<32x1024xf32, #tpu.memory_space<vmem>>, %arg7: memref<32x1024xf32, #tpu.memory_space<vmem>>, %arg8: memref<!tpu.dma_semaphore, #tpu.memory_space<semaphore_mem>>, %arg9: memref<!tpu.dma_semaphore, #tpu.memory_space<semaphore_mem>>, %arg10: memref<!tpu.dma_semaphore, #tpu.memory_space<semaphore_mem>>, %arg11: memref<!tpu.dma_semaphore, #tpu.memory_space<semaphore_mem>>) attributes {dimension_semantics = [#tpu.dimension_semantics<core_parallel>, #tpu.dimension_semantics<subcore_parallel>], iteration_bounds = array<i64: 2, 16>, scalar_prefetch = 0 : i64, scratch_operands = 7 : i64, tpu.core_type = #tpu.core_type<sc_vector_subcore>, window_params = [{transform_indices = #map}, {transform_indices = #map}, {transform_indices = #map1}]} {
    %mul3A = arith.constant 2 : i32
    %mul3A_0 = arith.muli %arg1, %mul3A : i32
    %add3A = arith.addi %mul3A_0, %arg0 : i32
    %jit3A = arith.constant 8 : i32
    %div3A = arith.divsi %add3A, %jit3A : i32
    %sign3A = arith.constant 0 : i32
    %sign3A_1 = arith.cmpi sgt, %add3A, %sign3A : i32
    %sign3A_2 = arith.extui %sign3A_1 : i1 to i32
    %sign3A_3 = arith.constant 0 : i32
    %sign3A_4 = arith.cmpi slt, %add3A, %sign3A_3 : i32
    %sign3A_5 = arith.extui %sign3A_4 : i1 to i32
    %sign3A_6 = arith.subi %sign3A_2, %sign3A_5 : i32
    %sign3A_7 = arith.constant 0 : i32
    %sign3A_8 = arith.cmpi sgt, %jit3A, %sign3A_7 : i32
    %sign3A_9 = arith.extui %sign3A_8 : i1 to i32
    %sign3A_10 = arith.constant 0 : i32
    %sign3A_11 = arith.cmpi slt, %jit3A, %sign3A_10 : i32
    %sign3A_12 = arith.extui %sign3A_11 : i1 to i32
    %sign3A_13 = arith.subi %sign3A_9, %sign3A_12 : i32
    %ne3A = arith.cmpi ne, %sign3A_6, %sign3A_13 : i32
    %rem3A = arith.remsi %add3A, %jit3A : i32
    %ne3A_14 = arith.constant 0 : i32
    %ne3A_15 = arith.cmpi ne, %rem3A, %ne3A_14 : i32
    %and3A = arith.andi %ne3A, %ne3A_15 : i1
    %sub3A = arith.constant 1 : i32
    %sub3A_16 = arith.subi %div3A, %sub3A : i32
    %select_n3A = arith.select %and3A, %sub3A_16, %div3A : i32
    %jit3A_17 = arith.constant 8 : i32
    %eq3A = arith.constant 0 : i32
    %eq3A_18 = arith.cmpi eq, %jit3A_17, %eq3A : i32
    %jit3A_19 = arith.constant 1 : i32
    %select_n3A_20 = arith.select %eq3A_18, %jit3A_19, %jit3A_17 : i32
    %rem3A_21 = arith.remsi %add3A, %select_n3A_20 : i32
    %ne3A_22 = arith.constant 0 : i32
    %ne3A_23 = arith.cmpi ne, %rem3A_21, %ne3A_22 : i32
    %lt3A = arith.constant 0 : i32
    %lt3A_24 = arith.cmpi slt, %rem3A_21, %lt3A : i32
    %lt3A_25 = arith.constant 0 : i32
    %lt3A_26 = arith.cmpi slt, %select_n3A_20, %lt3A_25 : i32
    %ne3A_27 = arith.xori %lt3A_24, %lt3A_26 : i1
    %and3A_28 = arith.andi %ne3A_27, %ne3A_23 : i1
    %add3A_29 = arith.addi %rem3A_21, %select_n3A_20 : i32
    %select_n3A_30 = arith.select %and3A_28, %add3A_29, %rem3A_21 : i32
    %mul3A_31 = arith.constant 512 : i32
    %mul3A_32 = arith.muli %select_n3A_30, %mul3A_31 : i32
    "tpu.region"() ({
      %run_scoped3A = tpu.sem_alloc : memref<!tpu.dma_semaphore, #tpu.memory_space<semaphore_mem>>
      %dma_start3A_83 = tpu.memref_slice %arg2[%select_n3A, %mul3A_32] : memref<4x4096xi32, #tpu.memory_space<hbm>> -> memref<1x512xi32, #tpu.memory_space<hbm>>
      %dma_start3A_84 = tpu.memref_squeeze %dma_start3A_83 : memref<1x512xi32, #tpu.memory_space<hbm>> -> memref<512xi32, #tpu.memory_space<hbm>>
      %dma_start3A_85 = tpu.memref_slice %arg2[%select_n3A, %mul3A_32] : memref<4x4096xi32, #tpu.memory_space<hbm>> -> memref<1x512xi32, #tpu.memory_space<hbm>>
      %dma_start3A_86 = tpu.memref_squeeze %dma_start3A_85 : memref<1x512xi32, #tpu.memory_space<hbm>> -> memref<512xi32, #tpu.memory_space<hbm>>
      tpu.enqueue_dma source(%dma_start3A_86 : memref<512xi32, #tpu.memory_space<hbm>>) target(%arg5 : memref<512xi32, #tpu.memory_space<vmem>>) target_semaphore(%run_scoped3A : memref<!tpu.dma_semaphore, #tpu.memory_space<semaphore_mem>>)
      %dma_wait3A_87 = tpu.memref_slice %arg2[%select_n3A, %mul3A_32] : memref<4x4096xi32, #tpu.memory_space<hbm>> -> memref<1x512xi32, #tpu.memory_space<hbm>>
      %dma_wait3A_88 = tpu.memref_squeeze %dma_wait3A_87 : memref<1x512xi32, #tpu.memory_space<hbm>> -> memref<512xi32, #tpu.memory_space<hbm>>
      %dma_wait3A_89 = tpu.memref_slice %arg2[%select_n3A, %mul3A_32] : memref<4x4096xi32, #tpu.memory_space<hbm>> -> memref<1x512xi32, #tpu.memory_space<hbm>>
      %dma_wait3A_90 = tpu.memref_squeeze %dma_wait3A_89 : memref<1x512xi32, #tpu.memory_space<hbm>> -> memref<512xi32, #tpu.memory_space<hbm>>
      tpu.wait_dma2 semaphore(%run_scoped3A : memref<!tpu.dma_semaphore, #tpu.memory_space<semaphore_mem>>) src(%dma_wait3A_90 : memref<512xi32, #tpu.memory_space<hbm>>) dst(%arg5 : memref<512xi32, #tpu.memory_space<vmem>>)
      tpu.yield
    }) : () -> ()
    %dma_start3A = arith.constant 0 : i32
    %dma_start3A_33 = tpu.memref_slice %arg5[%dma_start3A] : memref<512xi32, #tpu.memory_space<vmem>> -> memref<32xi32, #tpu.memory_space<vmem>>
    %dma_start3A_34 = arith.constant 0 : i32
    %dma_start3A_35 = arith.constant 0 : i32
    %dma_start3A_36 = tpu.memref_slice %arg3[%dma_start3A_34, %dma_start3A_35] : memref<8192x1024xf32, #tpu.memory_space<hbm>> -> memref<8192x1024xf32, #tpu.memory_space<hbm>>
    tpu.enqueue_indirect_dma source(%dma_start3A_36 : memref<8192x1024xf32, #tpu.memory_space<hbm>>) target(%arg6 : memref<32x1024xf32, #tpu.memory_space<vmem>>) offsets(%dma_start3A_33 : memref<32xi32, #tpu.memory_space<vmem>>) semaphore(%arg8 : memref<!tpu.dma_semaphore, #tpu.memory_space<semaphore_mem>>)
    %dma_start3A_37 = arith.constant 32 : i32
    %dma_start3A_38 = tpu.memref_slice %arg5[%dma_start3A_37] : memref<512xi32, #tpu.memory_space<vmem>> -> memref<32xi32, #tpu.memory_space<vmem>>
    %dma_start3A_39 = arith.constant 0 : i32
    %dma_start3A_40 = arith.constant 0 : i32
    %dma_start3A_41 = tpu.memref_slice %arg3[%dma_start3A_39, %dma_start3A_40] : memref<8192x1024xf32, #tpu.memory_space<hbm>> -> memref<8192x1024xf32, #tpu.memory_space<hbm>>
    tpu.enqueue_indirect_dma source(%dma_start3A_41 : memref<8192x1024xf32, #tpu.memory_space<hbm>>) target(%arg7 : memref<32x1024xf32, #tpu.memory_space<vmem>>) offsets(%dma_start3A_38 : memref<32xi32, #tpu.memory_space<vmem>>) semaphore(%arg9 : memref<!tpu.dma_semaphore, #tpu.memory_space<semaphore_mem>>)
    %dma_wait3A = arith.constant 0 : i32
    %dma_wait3A_42 = tpu.memref_slice %arg5[%dma_wait3A] : memref<512xi32, #tpu.memory_space<vmem>> -> memref<32xi32, #tpu.memory_space<vmem>>
    %dma_wait3A_43 = arith.constant 0 : i32
    %dma_wait3A_44 = arith.constant 0 : i32
    %dma_wait3A_45 = tpu.memref_slice %arg3[%dma_wait3A_43, %dma_wait3A_44] : memref<8192x1024xf32, #tpu.memory_space<hbm>> -> memref<8192x1024xf32, #tpu.memory_space<hbm>>
    tpu.wait_indirect_dma semaphore(%arg8 : memref<!tpu.dma_semaphore, #tpu.memory_space<semaphore_mem>>) src(%dma_wait3A_45 : memref<8192x1024xf32, #tpu.memory_space<hbm>>) dst(%arg6 : memref<32x1024xf32, #tpu.memory_space<vmem>>)
    %add3A_46 = arith.constant 0 : i32
    %add3A_47 = arith.addi %mul3A_32, %add3A_46 : i32
    %dma_start3A_48 = arith.constant 0 : i32
    %dma_start3A_49 = tpu.memref_slice %arg4[%select_n3A, %add3A_47, %dma_start3A_48] : memref<4x4096x1024xf32, #tpu.memory_space<hbm>> -> memref<1x32x1024xf32, #tpu.memory_space<hbm>>
    %dma_start3A_50 = tpu.memref_squeeze %dma_start3A_49 : memref<1x32x1024xf32, #tpu.memory_space<hbm>> -> memref<32x1024xf32, #tpu.memory_space<hbm>>
    %dma_start3A_51 = arith.constant 0 : i32
    %dma_start3A_52 = tpu.memref_slice %arg4[%select_n3A, %add3A_47, %dma_start3A_51] : memref<4x4096x1024xf32, #tpu.memory_space<hbm>> -> memref<1x32x1024xf32, #tpu.memory_space<hbm>>
    %dma_start3A_53 = tpu.memref_squeeze %dma_start3A_52 : memref<1x32x1024xf32, #tpu.memory_space<hbm>> -> memref<32x1024xf32, #tpu.memory_space<hbm>>
    tpu.enqueue_dma source(%arg6 : memref<32x1024xf32, #tpu.memory_space<vmem>>) target(%dma_start3A_53 : memref<32x1024xf32, #tpu.memory_space<hbm>>) target_semaphore(%arg10 : memref<!tpu.dma_semaphore, #tpu.memory_space<semaphore_mem>>)
    %scan3A = arith.constant 0 : i32
    %scan3A_54 = arith.constant 7 : i32
    %scan3A_55 = arith.addi %scan3A, %scan3A_54 : i32
    %scan3A_56 = arith.constant 1 : i32
    scf.for %scan3A_83 = %scan3A to %scan3A_55 step %scan3A_56  : i32 {
      %mul3A_84 = arith.constant 2 : i32
      %mul3A_85 = arith.muli %mul3A_84, %scan3A_83 : i32
      %dma_wait3A_86 = arith.constant 0 : i32
      %dma_wait3A_87 = tpu.memref_slice %arg5[%dma_wait3A_86] : memref<512xi32, #tpu.memory_space<vmem>> -> memref<32xi32, #tpu.memory_space<vmem>>
      %dma_wait3A_88 = arith.constant 0 : i32
      %dma_wait3A_89 = arith.constant 0 : i32
      %dma_wait3A_90 = tpu.memref_slice %arg3[%dma_wait3A_88, %dma_wait3A_89] : memref<8192x1024xf32, #tpu.memory_space<hbm>> -> memref<8192x1024xf32, #tpu.memory_space<hbm>>
      tpu.wait_indirect_dma semaphore(%arg9 : memref<!tpu.dma_semaphore, #tpu.memory_space<semaphore_mem>>) src(%dma_wait3A_90 : memref<8192x1024xf32, #tpu.memory_space<hbm>>) dst(%arg7 : memref<32x1024xf32, #tpu.memory_space<vmem>>)
      %add3A_91 = arith.constant 1 : i32
      %add3A_92 = arith.addi %mul3A_85, %add3A_91 : i32
      %mul3A_93 = arith.constant 32 : i32
      %mul3A_94 = arith.muli %add3A_92, %mul3A_93 : i32
      %add3A_95 = arith.addi %mul3A_32, %mul3A_94 : i32
      %dma_start3A_96 = arith.constant 0 : i32
      %dma_start3A_97 = tpu.memref_slice %arg4[%select_n3A, %add3A_95, %dma_start3A_96] : memref<4x4096x1024xf32, #tpu.memory_space<hbm>> -> memref<1x32x1024xf32, #tpu.memory_space<hbm>>
      %dma_start3A_98 = tpu.memref_squeeze %dma_start3A_97 : memref<1x32x1024xf32, #tpu.memory_space<hbm>> -> memref<32x1024xf32, #tpu.memory_space<hbm>>
      %dma_start3A_99 = arith.constant 0 : i32
      %dma_start3A_100 = tpu.memref_slice %arg4[%select_n3A, %add3A_95, %dma_start3A_99] : memref<4x4096x1024xf32, #tpu.memory_space<hbm>> -> memref<1x32x1024xf32, #tpu.memory_space<hbm>>
      %dma_start3A_101 = tpu.memref_squeeze %dma_start3A_100 : memref<1x32x1024xf32, #tpu.memory_space<hbm>> -> memref<32x1024xf32, #tpu.memory_space<hbm>>
      tpu.enqueue_dma source(%arg7 : memref<32x1024xf32, #tpu.memory_space<vmem>>) target(%dma_start3A_101 : memref<32x1024xf32, #tpu.memory_space<hbm>>) target_semaphore(%arg11 : memref<!tpu.dma_semaphore, #tpu.memory_space<semaphore_mem>>)
      %dma_wait3A_102 = arith.constant 0 : i32
      %dma_wait3A_103 = tpu.memref_slice %arg4[%select_n3A, %mul3A_32, %dma_wait3A_102] : memref<4x4096x1024xf32, #tpu.memory_space<hbm>> -> memref<1x32x1024xf32, #tpu.memory_space<hbm>>
      %dma_wait3A_104 = tpu.memref_squeeze %dma_wait3A_103 : memref<1x32x1024xf32, #tpu.memory_space<hbm>> -> memref<32x1024xf32, #tpu.memory_space<hbm>>
      %dma_wait3A_105 = arith.constant 0 : i32
      %dma_wait3A_106 = tpu.memref_slice %arg4[%select_n3A, %mul3A_32, %dma_wait3A_105] : memref<4x4096x1024xf32, #tpu.memory_space<hbm>> -> memref<1x32x1024xf32, #tpu.memory_space<hbm>>
      %dma_wait3A_107 = tpu.memref_squeeze %dma_wait3A_106 : memref<1x32x1024xf32, #tpu.memory_space<hbm>> -> memref<32x1024xf32, #tpu.memory_space<hbm>>
      tpu.wait_dma2 semaphore(%arg10 : memref<!tpu.dma_semaphore, #tpu.memory_space<semaphore_mem>>) src(%arg6 : memref<32x1024xf32, #tpu.memory_space<vmem>>) dst(%dma_wait3A_107 : memref<32x1024xf32, #tpu.memory_space<hbm>>)
      %add3A_108 = arith.constant 2 : i32
      %add3A_109 = arith.addi %mul3A_85, %add3A_108 : i32
      %mul3A_110 = arith.constant 32 : i32
      %mul3A_111 = arith.muli %add3A_109, %mul3A_110 : i32
      %dma_start3A_112 = tpu.memref_slice %arg5[%mul3A_111] : memref<512xi32, #tpu.memory_space<vmem>> -> memref<32xi32, #tpu.memory_space<vmem>>
      %dma_start3A_113 = arith.constant 0 : i32
      %dma_start3A_114 = arith.constant 0 : i32
      %dma_start3A_115 = tpu.memref_slice %arg3[%dma_start3A_113, %dma_start3A_114] : memref<8192x1024xf32, #tpu.memory_space<hbm>> -> memref<8192x1024xf32, #tpu.memory_space<hbm>>
      tpu.enqueue_indirect_dma source(%dma_start3A_115 : memref<8192x1024xf32, #tpu.memory_space<hbm>>) target(%arg6 : memref<32x1024xf32, #tpu.memory_space<vmem>>) offsets(%dma_start3A_112 : memref<32xi32, #tpu.memory_space<vmem>>) semaphore(%arg8 : memref<!tpu.dma_semaphore, #tpu.memory_space<semaphore_mem>>)
      %dma_wait3A_116 = arith.constant 0 : i32
      %dma_wait3A_117 = tpu.memref_slice %arg4[%select_n3A, %mul3A_32, %dma_wait3A_116] : memref<4x4096x1024xf32, #tpu.memory_space<hbm>> -> memref<1x32x1024xf32, #tpu.memory_space<hbm>>
      %dma_wait3A_118 = tpu.memref_squeeze %dma_wait3A_117 : memref<1x32x1024xf32, #tpu.memory_space<hbm>> -> memref<32x1024xf32, #tpu.memory_space<hbm>>
      %dma_wait3A_119 = arith.constant 0 : i32
      %dma_wait3A_120 = tpu.memref_slice %arg4[%select_n3A, %mul3A_32, %dma_wait3A_119] : memref<4x4096x1024xf32, #tpu.memory_space<hbm>> -> memref<1x32x1024xf32, #tpu.memory_space<hbm>>
      %dma_wait3A_121 = tpu.memref_squeeze %dma_wait3A_120 : memref<1x32x1024xf32, #tpu.memory_space<hbm>> -> memref<32x1024xf32, #tpu.memory_space<hbm>>
      tpu.wait_dma2 semaphore(%arg11 : memref<!tpu.dma_semaphore, #tpu.memory_space<semaphore_mem>>) src(%arg7 : memref<32x1024xf32, #tpu.memory_space<vmem>>) dst(%dma_wait3A_121 : memref<32x1024xf32, #tpu.memory_space<hbm>>)
      %add3A_122 = arith.constant 3 : i32
      %add3A_123 = arith.addi %mul3A_85, %add3A_122 : i32
      %mul3A_124 = arith.constant 32 : i32
      %mul3A_125 = arith.muli %add3A_123, %mul3A_124 : i32
      %dma_start3A_126 = tpu.memref_slice %arg5[%mul3A_125] : memref<512xi32, #tpu.memory_space<vmem>> -> memref<32xi32, #tpu.memory_space<vmem>>
      %dma_start3A_127 = arith.constant 0 : i32
      %dma_start3A_128 = arith.constant 0 : i32
      %dma_start3A_129 = tpu.memref_slice %arg3[%dma_start3A_127, %dma_start3A_128] : memref<8192x1024xf32, #tpu.memory_space<hbm>> -> memref<8192x1024xf32, #tpu.memory_space<hbm>>
      tpu.enqueue_indirect_dma source(%dma_start3A_129 : memref<8192x1024xf32, #tpu.memory_space<hbm>>) target(%arg7 : memref<32x1024xf32, #tpu.memory_space<vmem>>) offsets(%dma_start3A_126 : memref<32xi32, #tpu.memory_space<vmem>>) semaphore(%arg9 : memref<!tpu.dma_semaphore, #tpu.memory_space<semaphore_mem>>)
      %dma_wait3A_130 = arith.constant 0 : i32
      %dma_wait3A_131 = tpu.memref_slice %arg5[%dma_wait3A_130] : memref<512xi32, #tpu.memory_space<vmem>> -> memref<32xi32, #tpu.memory_space<vmem>>
      %dma_wait3A_132 = arith.constant 0 : i32
      %dma_wait3A_133 = arith.constant 0 : i32
      %dma_wait3A_134 = tpu.memref_slice %arg3[%dma_wait3A_132, %dma_wait3A_133] : memref<8192x1024xf32, #tpu.memory_space<hbm>> -> memref<8192x1024xf32, #tpu.memory_space<hbm>>
      tpu.wait_indirect_dma semaphore(%arg8 : memref<!tpu.dma_semaphore, #tpu.memory_space<semaphore_mem>>) src(%dma_wait3A_134 : memref<8192x1024xf32, #tpu.memory_space<hbm>>) dst(%arg6 : memref<32x1024xf32, #tpu.memory_space<vmem>>)
      %add3A_135 = arith.constant 2 : i32
      %add3A_136 = arith.addi %mul3A_85, %add3A_135 : i32
      %mul3A_137 = arith.constant 32 : i32
      %mul3A_138 = arith.muli %add3A_136, %mul3A_137 : i32
      %add3A_139 = arith.addi %mul3A_32, %mul3A_138 : i32
      %dma_start3A_140 = arith.constant 0 : i32
      %dma_start3A_141 = tpu.memref_slice %arg4[%select_n3A, %add3A_139, %dma_start3A_140] : memref<4x4096x1024xf32, #tpu.memory_space<hbm>> -> memref<1x32x1024xf32, #tpu.memory_space<hbm>>
      %dma_start3A_142 = tpu.memref_squeeze %dma_start3A_141 : memref<1x32x1024xf32, #tpu.memory_space<hbm>> -> memref<32x1024xf32, #tpu.memory_space<hbm>>
      %dma_start3A_143 = arith.constant 0 : i32
      %dma_start3A_144 = tpu.memref_slice %arg4[%select_n3A, %add3A_139, %dma_start3A_143] : memref<4x4096x1024xf32, #tpu.memory_space<hbm>> -> memref<1x32x1024xf32, #tpu.memory_space<hbm>>
      %dma_start3A_145 = tpu.memref_squeeze %dma_start3A_144 : memref<1x32x1024xf32, #tpu.memory_space<hbm>> -> memref<32x1024xf32, #tpu.memory_space<hbm>>
      tpu.enqueue_dma source(%arg6 : memref<32x1024xf32, #tpu.memory_space<vmem>>) target(%dma_start3A_145 : memref<32x1024xf32, #tpu.memory_space<hbm>>) target_semaphore(%arg10 : memref<!tpu.dma_semaphore, #tpu.memory_space<semaphore_mem>>)
    }
    %scan3A_57 = arith.constant 7 : i32
    %dma_wait3A_58 = arith.constant 0 : i32
    %dma_wait3A_59 = tpu.memref_slice %arg5[%dma_wait3A_58] : memref<512xi32, #tpu.memory_space<vmem>> -> memref<32xi32, #tpu.memory_space<vmem>>
    %dma_wait3A_60 = arith.constant 0 : i32
    %dma_wait3A_61 = arith.constant 0 : i32
    %dma_wait3A_62 = tpu.memref_slice %arg3[%dma_wait3A_60, %dma_wait3A_61] : memref<8192x1024xf32, #tpu.memory_space<hbm>> -> memref<8192x1024xf32, #tpu.memory_space<hbm>>
    tpu.wait_indirect_dma semaphore(%arg9 : memref<!tpu.dma_semaphore, #tpu.memory_space<semaphore_mem>>) src(%dma_wait3A_62 : memref<8192x1024xf32, #tpu.memory_space<hbm>>) dst(%arg7 : memref<32x1024xf32, #tpu.memory_space<vmem>>)
    %add3A_63 = arith.constant 480 : i32
    %add3A_64 = arith.addi %mul3A_32, %add3A_63 : i32
    %dma_start3A_65 = arith.constant 0 : i32
    %dma_start3A_66 = tpu.memref_slice %arg4[%select_n3A, %add3A_64, %dma_start3A_65] : memref<4x4096x1024xf32, #tpu.memory_space<hbm>> -> memref<1x32x1024xf32, #tpu.memory_space<hbm>>
    %dma_start3A_67 = tpu.memref_squeeze %dma_start3A_66 : memref<1x32x1024xf32, #tpu.memory_space<hbm>> -> memref<32x1024xf32, #tpu.memory_space<hbm>>
    %dma_start3A_68 = arith.constant 0 : i32
    %dma_start3A_69 = tpu.memref_slice %arg4[%select_n3A, %add3A_64, %dma_start3A_68] : memref<4x4096x1024xf32, #tpu.memory_space<hbm>> -> memref<1x32x1024xf32, #tpu.memory_space<hbm>>
    %dma_start3A_70 = tpu.memref_squeeze %dma_start3A_69 : memref<1x32x1024xf32, #tpu.memory_space<hbm>> -> memref<32x1024xf32, #tpu.memory_space<hbm>>
    tpu.enqueue_dma source(%arg7 : memref<32x1024xf32, #tpu.memory_space<vmem>>) target(%dma_start3A_70 : memref<32x1024xf32, #tpu.memory_space<hbm>>) target_semaphore(%arg11 : memref<!tpu.dma_semaphore, #tpu.memory_space<semaphore_mem>>)
    %dma_wait3A_71 = arith.constant 0 : i32
    %dma_wait3A_72 = tpu.memref_slice %arg4[%select_n3A, %mul3A_32, %dma_wait3A_71] : memref<4x4096x1024xf32, #tpu.memory_space<hbm>> -> memref<1x32x1024xf32, #tpu.memory_space<hbm>>
    %dma_wait3A_73 = tpu.memref_squeeze %dma_wait3A_72 : memref<1x32x1024xf32, #tpu.memory_space<hbm>> -> memref<32x1024xf32, #tpu.memory_space<hbm>>
    %dma_wait3A_74 = arith.constant 0 : i32
    %dma_wait3A_75 = tpu.memref_slice %arg4[%select_n3A, %mul3A_32, %dma_wait3A_74] : memref<4x4096x1024xf32, #tpu.memory_space<hbm>> -> memref<1x32x1024xf32, #tpu.memory_space<hbm>>
    %dma_wait3A_76 = tpu.memref_squeeze %dma_wait3A_75 : memref<1x32x1024xf32, #tpu.memory_space<hbm>> -> memref<32x1024xf32, #tpu.memory_space<hbm>>
    tpu.wait_dma2 semaphore(%arg10 : memref<!tpu.dma_semaphore, #tpu.memory_space<semaphore_mem>>) src(%arg6 : memref<32x1024xf32, #tpu.memory_space<vmem>>) dst(%dma_wait3A_76 : memref<32x1024xf32, #tpu.memory_space<hbm>>)
    %dma_wait3A_77 = arith.constant 0 : i32
    %dma_wait3A_78 = tpu.memref_slice %arg4[%select_n3A, %mul3A_32, %dma_wait3A_77] : memref<4x4096x1024xf32, #tpu.memory_space<hbm>> -> memref<1x32x1024xf32, #tpu.memory_space<hbm>>
    %dma_wait3A_79 = tpu.memref_squeeze %dma_wait3A_78 : memref<1x32x1024xf32, #tpu.memory_space<hbm>> -> memref<32x1024xf32, #tpu.memory_space<hbm>>
    %dma_wait3A_80 = arith.constant 0 : i32
    %dma_wait3A_81 = tpu.memref_slice %arg4[%select_n3A, %mul3A_32, %dma_wait3A_80] : memref<4x4096x1024xf32, #tpu.memory_space<hbm>> -> memref<1x32x1024xf32, #tpu.memory_space<hbm>>
    %dma_wait3A_82 = tpu.memref_squeeze %dma_wait3A_81 : memref<1x32x1024xf32, #tpu.memory_space<hbm>> -> memref<32x1024xf32, #tpu.memory_space<hbm>>
    tpu.wait_dma2 semaphore(%arg11 : memref<!tpu.dma_semaphore, #tpu.memory_space<semaphore_mem>>) src(%arg7 : memref<32x1024xf32, #tpu.memory_space<vmem>>) dst(%dma_wait3A_82 : memref<32x1024xf32, #tpu.memory_space<hbm>>)
    return
  }
}

</mosaic_0001>

<sc_bundles>
// kernel: kernel.3.cloned.1.call-start
scs
__scs_entry_jumppad:
0x0: {  	(pc) =	sbr.rel $0x88, $3  }
0x1: {  	(tag) =	ssettag $0x0;
	lr =	simm.s32 $0x1  }
0x2: {  	[smem:$0x3F9F] =	sst lr;
	_ =	strace $0xD0000000  }
0x3: {  	_ = 	snop  }
0x4: {  	_ = 	snop  }
0x5: {  	_ = 	snop  }
0x6: {  	_ = 	snop  }
0x7: {  	_ = 	snop  }
__scs_overlays_trampoline_lowered:
0x8: {  	[smem:$0x3FAE] =	sst s0  }
0x9: {  	[smem:$0x3FAF] =	sst s1  }
0xa: {  	[smem:$0x3FB0] =	sst s2  }
0xb: {  	[smem:$0x3FB1] =	sst s3  }
0xc: {  	[smem:$0x3FB2] =	sst s4  }
0xd: {  	[smem:$0x3FB3] =	sst s5  }
0xe: {  	[smem:$0x3FB4] =	sst s6  }
0xf: {  	[smem:$0x3FB5] =	sst s7  }
0x10: {  	[smem:$0x3FB6] =	sst s8  }
0x11: {  	[smem:$0x3FB7] =	sst s9;
	s0 =	simm.s32 @!p0 $0x0  }
0x12: {  	s1 =	sld [smem:$0x3F9D];
	s0 =	simm.s32 @p0 $0x1  }
0x13: {  	[smem:$0x3FB8] =	sst s0;
	s0 =	simm.s32 @!p1 $0x0  }
0x14: {  	s2 =	sld [smem:$0x3F9C];
	s0 =	simm.s32 @p1 $0x1  }
0x15: {  	[smem:$0x3FB9] =	sst s0;
	s0 =	simm.s32 @!p2 $0x0  }
0x16: {  	s3 =	sld [smem:$0x3FDB];
	s0 =	simm.s32 @p2 $0x1  }
0x17: {  	s4 =	simm.s32 $0x1BF5;
	[smem:$0x3FBB] =	sst s0  }
0x18: {  	s0 =	sld [smem:$0x3F9E];
	_ =	swait.ge [sflag:s4], $0x0  }
0x19: {  	s7 =	sld [smem:$0x3F9F]  }
0x1a: {  	s8 =	sadd.s32 $0xFFFFE003, lr  }
0x1b: {  	s9 =	sadd.s32 $0xFFFFFEF7, lr;
	s5 =	simm.s32 $0xFFFFFFFF;
	p2 =	slt.u32 s8, $0xFFFFF086  }
0x1c: {  	p1 =	slt.u32 s9, $0xF7A;
	s5 =	simm.s32 @!p2 $0x0  }
0x1d: {  	s5 =	simm.s32 @p1 $0x1;
	p0 =	seq.s32 s7, s2  }
0x1e: {  	s7 =	smul.u32 @!p0 $0xF7A, s2;
	p2 =	seq.s32 @!p0 s5, $0x0  }
0x1f: {  	s9 =	smul.u32 $0xF7A, s1;
	s8 =	simm.s32 @!p0 $0x1BF5;
	p2 =	por !p2, p0  }
0x20: {  	[sflag:s8] =	ssyncset.s32 @!p0 $0xFFFFF086;
	s6 =	sadd.s32 @!p0 s3, s7;
	s7 =	simm.s32 @!p0 $0x108  }
0x21: {  	s3 =	sadd.s32 s3, s9;
	s6 =	sadd.s32 @!p0 $0x88, s6;
	s7 =	simm.s32 @p2 $0x1082  }
0x22: {  	[simem:s7], [sflag:s8] =	dma.local @!p0 [hbm:s6], $0xF7A  }
0x23: {  	s9 =	sor.u32 $0xD0000000, s2;
	s6 =	simm.s32 $0x108;
	_ =	swait.ge @!p0 [sflag:s8], $0x0  }
0x24: {  	s3 =	sadd.s32 $0x88, s3;
	s6 =	simm.s32 @!p1 $0x1082;
	[sflag:s4] =	ssyncset.s32 $0xFFFFF086  }
0x25: {  	[simem:s6], [sflag:s4] =	dma.local [hbm:s3], $0xF7A  }
0x26: {  	[smem:$0x3F9F] =	sst s1;
	(tag) =	ssettag s2;
	_ =	strace s9  }
0x27: {  	s1 =	sld [smem:$0x3FAF]  }
0x28: {  	s2 =	sld [smem:$0x3FB0]  }
0x29: {  	s4 =	sld [smem:$0x3FB2]  }
0x2a: {  	p0 =	seq.s32 s5, $0x0;
	s5 =	sld [smem:$0x3FB3]  }
0x2b: {  	s6 =	sld [smem:$0x3FB4]  }
0x2c: {  	s7 =	sld [smem:$0x3FB5]  }
0x2d: {  	s3 =	simm.s32 $0x108;
	s8 =	sld [smem:$0x3FB6]  }
0x2e: {  	s3 =	simm.s32 @!p0 $0x1082;
	s9 =	sld [smem:$0x3FB7]  }
0x2f: {  	lr =	sadd.s32 s0, s3;
	s0 =	sld [smem:$0x3FAE]  }
0x30: {  	s3 =	sld [smem:$0x3FB1]  }
0x31: {  	[smem:$0x3FBA] =	sst s10  }
0x32: {  	s10 =	sld [smem:$0x3FB8];
	_ =	sdelay $0x3  }
0x33: {  	p0 =	seq.s32 s10, $0x1;
	s10 =	sld [smem:$0x3FBA];
	_ =	sdelay $0x3  }
0x34: {  	[smem:$0x3FBA] =	sst s10  }
0x35: {  	s10 =	sld [smem:$0x3FB9];
	_ =	sdelay $0x3  }
0x36: {  	p1 =	seq.s32 s10, $0x1;
	s10 =	sld [smem:$0x3FBA];
	_ =	sdelay $0x3  }
0x37: {  	[smem:$0x3FBA] =	sst s10  }
0x38: {  	s10 =	sld [smem:$0x3FBB]  }
0x39: {  	_ = 	snop;
	(pc) =	sbr.ind lr, $3  }
0x3a: {  	_ = 	snop  }
0x3b: {  	_ = 	snop  }
0x3c: {  	p2 =	seq.s32 s10, $0x1;
	s10 =	sld [smem:$0x3FBA]  }
0x3d: {  	_ =	shalt  }
0x3e: {  	_ =	shalt  }
0x3f: {  	_ =	shalt  }
0x40: {  	_ =	shalt  }
0x41: {  	_ =	shalt  }
0x42: {  	_ =	shalt  }
0x43: {  	_ =	shalt  }
0x44: {  	_ =	shalt  }
0x45: {  	_ =	shalt  }
0x46: {  	_ =	shalt  }
0x47: {  	_ =	shalt  }
0x48: {  	_ =	shalt  }
0x49: {  	_ =	shalt  }
0x4a: {  	_ =	shalt  }
0x4b: {  	_ =	shalt  }
0x4c: {  	_ =	shalt  }
0x4d: {  	_ =	shalt  }
0x4e: {  	_ =	shalt  }
0x4f: {  	_ =	shalt  }
0x50: {  	_ =	shalt  }
0x51: {  	_ =	shalt  }
0x52: {  	_ =	shalt  }
0x53: {  	_ =	shalt  }
0x54: {  	_ =	shalt  }
0x55: {  	_ =	shalt  }
0x56: {  	_ =	shalt  }
0x57: {  	_ =	shalt  }
0x58: {  	_ =	shalt  }
0x59: {  	_ =	shalt  }
0x5a: {  	_ =	shalt  }
0x5b: {  	_ =	shalt  }
0x5c: {  	_ =	shalt  }
0x5d: {  	_ =	shalt  }
0x5e: {  	_ =	shalt  }
0x5f: {  	_ =	shalt  }
0x60: {  	_ =	shalt  }
0x61: {  	_ =	shalt  }
0x62: {  	_ =	shalt  }
0x63: {  	_ =	shalt  }
0x64: {  	_ =	shalt  }
0x65: {  	_ =	shalt  }
0x66: {  	_ =	shalt  }
0x67: {  	_ =	shalt  }
0x68: {  	_ =	shalt  }
0x69: {  	_ =	shalt  }
0x6a: {  	_ =	shalt  }
0x6b: {  	_ =	shalt  }
0x6c: {  	_ =	shalt  }
0x6d: {  	_ =	shalt  }
0x6e: {  	_ =	shalt  }
0x6f: {  	_ =	shalt  }
0x70: {  	_ =	shalt  }
0x71: {  	_ =	shalt  }
0x72: {  	_ =	shalt  }
0x73: {  	_ =	shalt  }
0x74: {  	_ =	shalt  }
0x75: {  	_ =	shalt  }
0x76: {  	_ =	shalt  }
0x77: {  	_ =	shalt  }
0x78: {  	_ =	shalt  }
0x79: {  	_ =	shalt  }
0x7a: {  	_ =	shalt  }
0x7b: {  	_ =	shalt  }
0x7c: {  	_ =	shalt  }
0x7d: {  	_ =	shalt  }
0x7e: {  	_ =	shalt  }
0x7f: {  	_ =	shalt  }
0x80: {  	_ =	shalt  }
0x81: {  	_ =	shalt  }
0x82: {  	_ =	shalt  }
0x83: {  	_ =	shalt  }
0x84: {  	_ =	shalt  }
0x85: {  	_ =	shalt  }
0x86: {  	_ =	shalt  }
0x87: {  	_ =	shalt  }
.Lfunc_end0:
.L_simem_size_0:
called_computation_lowered:
.L_overlay_start_0:
0x88: {  	s2 =	sld [smem:$0x3FD9]  }
0x89: {  	s3 =	sld [smem:$0x3FFE];
	_ =	sdelay $0x1  }
0x8a: {  	s1 =	srdreg.scid  }
0x8b: {  	s0 =	sand.u32 $0x1, s1  }
0x8c: {  	s18 =	sshll.u32 s0, $0xA;
	s2 =	sadd.s32 s3, s2  }
0x8d: {  	s2 =	sadd.s32 s2, s18  }
0x8e: {  	[smem:$0x3FC6] =	sst s2  }
0x8f: {  	_ = 	snop  }
0x90: {  	s2 =	sld [smem:$0x3FC9]  }
0x91: {  	s19 =	sld [smem:$0x3FC8]  }
0x92: {  	s4 =	sld [smem:$0x3FD0];
	(tm) =	ssettm $0x1  }
0x93: {  	s5 =	sld [smem:$0x3FFB];
	_ =	sdelay $0x3  }
0x94: {  	_ =	strace s5  }
0x95: {  	s5 =	sld [smem:$0x3FFC];
	_ =	sdelay $0x3  }
0x96: {  	_ =	strace s5  }
0x97: {  	s5 =	sld [smem:$0x3FFD];
	_ =	sdelay $0x3  }
0x98: {  	_ =	strace s5  }
0x99: {  	_ =	strace $0x8FFFFFFF  }
0x9a: {  	s20 =	sld [smem:$0x3FDB];
	_ =	sdelay $0x1  }
0x9b: {  	s6 =	simm.s32 $_scs_section_size  }
0x9c: {  	s7 =	simm.s32 $_size__tile_overlayer_lowered;
	s8 =	simm.s32 $_tile_overlayer_lowered  }
0x9d: {  	s23 =	simm.s32 $0x1BFF;
	s22 =	sshll.u32 s8, $0x1;
	s5 =	sadd.s32 s6, s20  }
0x9e: {  	s9 =	simm.s32 $0x0;
	s21 =	sshll.u32 s7, $0x1;
	s7 =	sadd.s32 s22, s5  }
0x9f: {  	[timem:s9], [sflag:s23] =	dma.local [hbm:s7], s21  }
0xa0: {  	_ =	swait.ge [sflag:s23], s21  }
0xa1: {  	s6 =	ssub.s32 $0x0, s21;
	[sflag:s23] =	ssyncset.done $0x0  }
0xa2: {  	[sflag:s23] =	ssyncadd.s32 s6;
	_ =	sdelay $0x1  }
0xa3: {  	s24 =	simm.s32 $0x1B8B  }
0xa4: {  	_ =	swait.ge [sflag:s24], $0x1  }
0xa5: {  	[sflag:s24] =	ssyncset.done $0x0  }
0xa6: {  	s25 =	simm.s32 $0x1B8E;
	[sflag:s24] =	ssyncadd.s32 $0xFFFFFFFF  }
0xa7: {  	s26 =	simm.s32 $execute0_lowered;
	[smem:$0x3FD2] =	sst s25  }
0xa8: {  	s6 =	sshll.u32 s26, $0x1;
	_ =	strace $0x80000046;
	[dreg:$0x1] =	wrdreg $0xFFFFFFFF  }
0xa9: {  	s28 =	simm.s32 $_size_execute0_lowered;
	s5 =	sadd.s32 s5, s6;
	[dreg:$0x0] =	wrdreg $0x0  }
0xaa: {  	s6 =	sshll.u32 s28, $0x1;
	[dreg:$0x2] =	wrdreg s5  }
0xab: {  	[dreg:$0x3] =	wrdreg s6  }
0xac: {  	[dreg:$0x4] =	wrdreg $0xC0  }
0xad: {  	_ =	task [dreg:s9], $0x5FFFF  }
0xae: {  	[dreg:$0x1] =	wrdreg $0xFFFFFFFF  }
0xaf: {  	[dreg:$0x0] =	wrdreg $0x60  }
0xb0: {  	[dreg:$0x2] =	wrdreg s2  }
0xb1: {  	[dreg:$0x3] =	wrdreg s19  }
0xb2: {  	[dreg:$0x4] =	wrdreg s4  }
0xb3: {  	[dreg:$0x5] =	wrdreg $0x9  }
0xb4: {  	_ =	task.clear_ibuf [dreg:s9], $0x6FFFF;
	_ =	strace $0x90000046  }
0xb5: {  	s29 =	simm.s32 $0x9;
	_ =	strace $0x80000048  }
0xb6: {  	_ =	swait.ge [sflag:s29], $0x1  }
0xb7: {  	[sflag:s29] =	ssyncadd.s32 $0xFFFFFFFF  }
0xb8: {  	_ =	strace $0x90000048  }
0xb9: {  	_ =	sfence  }
0xba: {  	s30 =	sld [smem:$0x0];
	_ =	sdelay $0x2  }
0xbb: {  	s31 =	sshll.u32 s1, $0xD;
	s1 =	sshrl.u32 s1, $0x2  }
0xbc: {  	s3 =	sand.u32 $0x4000, s31;
	s1 =	sadd.s32 s1, s30  }
0xbd: {  	s0 =	sor.u32 s3, s0;
	s1 =	sshll.u32 s1, $0x11  }
0xbe: {  	s0 =	sor.u32 s1, s0  }
0xbf: {  	s0 =	sadd.s32 $0x8F2B, s0  }
0xc0: {  	[sflag:s0] =	ssyncadd.remote.s32 $0x1  }
0xc1: {  	_ =	sfence.sel $0xFFFF  }
0xc2: {  	[dreg:$0x0] =	wrdreg $0xFFFFFFFF;
	(pc) =	sbr.abs _section_cstart, $3  }
0xc3: {  	[dreg:$0x1] =	wrdreg $0xFFFFFFFF  }
0xc4: {  	_ =	task.clear_ibuf [dreg:s9], $0x2FFFF;
	_ =	strace $0x9FFFFFFF  }
0xc5: {  	(tm) =	ssettm $0x7FFFFFFF  }
tec
execute0_lowered:
.L_overlay_start_1:
0x0: {  	(tag) =	ssettag $0x1  }
0x1: {  	s0 =	rddreg [dreg:$0x0]  }
0x2: {  	s1 =	rddreg [dreg:$0x1]  }
0x3: {  	s2 =	rddreg [dreg:$0x2]  }
0x4: {  	s4 =	srdreg.scid;
	s3 =	simm.s32 $0x0;
	s10 =	stileid.u32  }
0x5: {  	s31 =	simm.s32 $0x200;
	s28 =	simm.s32 $0x1200;
	s29 =	simm.s32 $0x1A00  }
0x6: {  	s30 =	simm.s32 $0x2200;
	s13 =	simm.s32 $0x5A00;
	s14 =	simm.s32 $0x6200  }
0x7: {  	s15 =	simm.s32 $0x6A00;
	s16 =	simm.s32 $0x7200;
	s17 =	simm.s32 $0x7A00  }
0x8: {  	s18 =	simm.s32 $0x8A00;
	s12 =	simm.s32 $0x9A00;
	s4 =	sand.u32 $0x1, s4  }
0x9: {  	[smem:$0x7FF] =	sst s3;
	s6 =	sshll.u32 s10, $0x1;
	s19 =	sshrl.u32 s10, $0x2  }
0xa: {  	s10 =	sand.u32 $0x3, s10;
	s5 =	ssub.s32 $0x2, s4;
	_ =	strace $0x80000047  }
0xb: {  	s6 =	sand.u32 $0x6, s6;
	s20 =	sshll.u32 s19, $0x4;
	s11 =	sshll.u32 s19, $0x16  }
0xc: {  	s21 =	sshll.u32 s10, $0x14;
	s10 =	simm.s32 $0x4A00;
	s19 =	simm.s32 $0x9200  }
0xd: {  	s7 =	sshrl.u32 s5, $0x1;
	s9 =	sor.u32 s4, s6;
	s0 =	sadd.s32 s0, s20  }
0xe: {  	s22 =	sor.u32 s21, s11;
	s4 =	sshll.u32 s4, $0x13;
	s20 =	simm.s32 $0x1  }
0xf: {  	s21 =	simm.s32 $0x2;
	s8 =	ssub.s32 s5, s7;
	s6 =	sshll.u32 s9, $0x8  }
0x10: {  	s5 =	sadd.s32 $0x100, s1;
	s7 =	sadd.s32 $0x300, s1;
	s23 =	sshll.u32 s9, $0x13  }
0x11: {  	s0 =	sadd.s32 s6, s0;
	s6 =	sadd.s32 $0x200, s1;
	s26 =	smax.u32 s8, $0x1  }
0x12: {  	s8 =	simm.s32 $0x5200;
	[dreg:$0x6] =	wrdreg s0;
	s0 =	sor.u32 s4, s22  }
0x13: {  	s4 =	sor.u32 s11, s23;
	[dreg:$0x9] =	wrdreg s26;
	s26 =	simm.s32 $0xA00  }
0x14: {  	s11 =	simm.s32 $0x3200;
	s24 =	sor.u32 $0x8000, s0;
	s4 =	sshrl.u32 s4, $0x3  }
0x15: {  	s22 =	simm.s32 $0x3;
	s9 =	sshrl.u32 s24, $0x3;
	s4 =	sadd.s32 s2, s4  }
0x16: {  	s0 =	sor.u32 $0x10000, s0;
	s9 =	sadd.s32 s9, s2;
	[dreg:$0x7] =	wrdreg s4  }
0x17: {  	s0 =	sshrl.u32 s0, $0x3;
	s25 =	sadd.s32 $0xF000, s4;
	[dreg:$0x4] =	wrdreg s9  }
0x18: {  	v2 =	vlaneseq.u32;
	s23 =	simm.s32 $0x4;
	s0 =	sadd.s32 s0, s2;
	[dreg:$0x8] =	wrdreg s25  }
0x19: {  	vm0 =	vmmov $0xffff;
	v1 =	vshrl.u32 v2, $0x3;
	s2 =	simm.s32 $0x2A00;
	s4 =	simm.s32 $0x3A00;
	[dreg:$0x5] =	wrdreg s0  }
0x1a: {  	v0 =	vand.u32 $0x7, v2;
	v2 =	vor.u32 $0x8, v2;
	v1 =	vmul.u32 $0x8, v1;
	s9 =	simm.s32 $0x4200;
	s0 =	simm.s32 $0x8200;
	s25 =	simm.s32 $0x0  }
.LBB2_1:
0x1b: {  	[dreg:$0xa] =	wrdreg s25  }
0x1c: {  	s24 =	rddreg [dreg:$0x6];
	s25 =	simm.s32 $0x80  }
0x1d: {  	[tilespmem:s3], [sflag:$0x5] =	stream.strided.gather [hbm4b:s24+s25], $0x200, s31, s25, $0x38;
	[tilespmem:$0x10200] =	vst v63  }
0x1e: {  	s25 =	simm.s32 $0x5  }
0x1f: {  	_ =	swait.ge [sflag:s25], $0x200  }
0x20: {  	[sflag:s25] =	ssyncset.done $0x0  }
0x21: {  	[sflag:s25] =	ssyncadd.s32 $0xFFFFFE00  }
0x22: {  	v3 =	vld [tilespmem:$0x0];
	_ =	sdelay $0x4  }
0x23: {  	v4 =	vshll.u32 v3, $0x3  }
0x24: {  	v3 =	vand.u32 $0x7, v3;
	v4 =	vand.u32 $0xFFFFFFC0, v4  }
0x25: {  	v3 =	vor.u32 v3, v4  }
0x26: {  	v4 =	vperm.xlane v3, v0;
	_ =	sdelay $0x1  }
0x27: {  	v4 =	vadd.s32 v1, v4;
	_ =	sdelay $0x4  }
0x28: {  	[tilespmem:s31], [sflag:$0x1] =	stream.indirect_vreg.gather [hbm4b:s1+s3], $0x80, v4, vm0, $0xb8;
	[tilespmem:$0x10200] =	vst v63  }
0x29: {  	v3 =	vperm.xlane v3, v2  }
0x2a: {  	[tilespmem:s26], [sflag:$0x1] =	stream.indirect_vreg.gather [hbm4b:s5+s3], $0x80, v4, vm0, $0xb8;
	[tilespmem:$0x10200] =	vst v63  }
0x2b: {  	v3 =	vadd.s32 v1, v3  }
0x2c: {  	[tilespmem:s28], [sflag:$0x1] =	stream.indirect_vreg.gather [hbm4b:s6+s3], $0x80, v4, vm0, $0xb8;
	[tilespmem:$0x10200] =	vst v63  }
0x2d: {  	_ = 	snop  }
0x2e: {  	[tilespmem:s29], [sflag:$0x1] =	stream.indirect_vreg.gather [hbm4b:s7+s3], $0x80, v4, vm0, $0xb8;
	[tilespmem:$0x10200] =	vst v63  }
0x2f: {  	_ = 	snop  }
0x30: {  	[tilespmem:s30], [sflag:$0x1] =	stream.indirect_vreg.gather [hbm4b:s1+s3], $0x80, v3, vm0, $0xb8;
	[tilespmem:$0x10200] =	vst v63  }
0x31: {  	_ = 	snop  }
0x32: {  	[tilespmem:s2], [sflag:$0x1] =	stream.indirect_vreg.gather [hbm4b:s5+s3], $0x80, v3, vm0, $0xb8;
	[tilespmem:$0x10200] =	vst v63  }
0x33: {  	_ = 	snop  }
0x34: {  	[tilespmem:s11], [sflag:$0x1] =	stream.indirect_vreg.gather [hbm4b:s6+s3], $0x80, v3, vm0, $0xb8;
	[tilespmem:$0x10200] =	vst v63  }
0x35: {  	_ = 	snop  }
0x36: {  	[tilespmem:s4], [sflag:$0x1] =	stream.indirect_vreg.gather [hbm4b:s7+s3], $0x80, v3, vm0, $0xb8;
	[tilespmem:$0x10200] =	vst v63  }
0x37: {  	v3 =	vld [tilespmem:$0x10];
	_ =	sdelay $0x4  }
0x38: {  	v61 =	vshll.u32 v3, $0x3  }
0x39: {  	v3 =	vand.u32 $0x7, v3;
	v4 =	vand.u32 $0xFFFFFFC0, v61  }
0x3a: {  	v3 =	vor.u32 v3, v4  }
0x3b: {  	v4 =	vperm.xlane v3, v0;
	_ =	sdelay $0x1  }
0x3c: {  	v4 =	vadd.s32 v1, v4;
	_ =	sdelay $0x4  }
0x3d: {  	[tilespmem:s9], [sflag:$0x1] =	stream.indirect_vreg.gather [hbm4b:s1+s3], $0x80, v4, vm0, $0xb8;
	[tilespmem:$0x10200] =	vst v63  }
0x3e: {  	v3 =	vperm.xlane v3, v2  }
0x3f: {  	[tilespmem:s10], [sflag:$0x1] =	stream.indirect_vreg.gather [hbm4b:s5+s3], $0x80, v4, vm0, $0xb8;
	[tilespmem:$0x10200] =	vst v63  }
0x40: {  	v3 =	vadd.s32 v1, v3  }
0x41: {  	[tilespmem:s8], [sflag:$0x1] =	stream.indirect_vreg.gather [hbm4b:s6+s3], $0x80, v4, vm0, $0xb8;
	[tilespmem:$0x10200] =	vst v63  }
0x42: {  	_ = 	snop  }
0x43: {  	[tilespmem:s13], [sflag:$0x1] =	stream.indirect_vreg.gather [hbm4b:s7+s3], $0x80, v4, vm0, $0xb8;
	[tilespmem:$0x10200] =	vst v63  }
0x44: {  	_ = 	snop  }
0x45: {  	[tilespmem:s14], [sflag:$0x1] =	stream.indirect_vreg.gather [hbm4b:s1+s3], $0x80, v3, vm0, $0xb8;
	[tilespmem:$0x10200] =	vst v63  }
0x46: {  	_ = 	snop  }
0x47: {  	[tilespmem:s15], [sflag:$0x1] =	stream.indirect_vreg.gather [hbm4b:s5+s3], $0x80, v3, vm0, $0xb8;
	[tilespmem:$0x10200] =	vst v63  }
0x48: {  	_ = 	snop  }
0x49: {  	[tilespmem:s16], [sflag:$0x1] =	stream.indirect_vreg.gather [hbm4b:s6+s3], $0x80, v3, vm0, $0xb8;
	[tilespmem:$0x10200] =	vst v63  }
0x4a: {  	_ = 	snop  }
0x4b: {  	[tilespmem:s17], [sflag:$0x1] =	stream.indirect_vreg.gather [hbm4b:s7+s3], $0x80, v3, vm0, $0xb8;
	[tilespmem:$0x10200] =	vst v63  }
0x4c: {  	v3 =	vld [tilespmem:$0x20];
	_ =	sdelay $0x4  }
0x4d: {  	v62 =	vshll.u32 v3, $0x3  }
0x4e: {  	v3 =	vand.u32 $0x7, v3;
	v4 =	vand.u32 $0xFFFFFFC0, v62  }
0x4f: {  	v3 =	vor.u32 v3, v4  }
0x50: {  	v4 =	vperm.xlane v3, v0;
	_ =	sdelay $0x1  }
0x51: {  	v4 =	vadd.s32 v1, v4;
	_ =	sdelay $0x4  }
0x52: {  	[tilespmem:s0], [sflag:$0x2] =	stream.indirect_vreg.gather [hbm4b:s1+s3], $0x80, v4, vm0, $0xb8;
	[tilespmem:$0x10200] =	vst v63  }
0x53: {  	v3 =	vperm.xlane v3, v2  }
0x54: {  	[tilespmem:s18], [sflag:$0x2] =	stream.indirect_vreg.gather [hbm4b:s5+s3], $0x80, v4, vm0, $0xb8;
	[tilespmem:$0x10200] =	vst v63  }
0x55: {  	v3 =	vadd.s32 v1, v3  }
0x56: {  	[tilespmem:s19], [sflag:$0x2] =	stream.indirect_vreg.gather [hbm4b:s6+s3], $0x80, v4, vm0, $0xb8;
	[tilespmem:$0x10200] =	vst v63  }
0x57: {  	_ = 	snop  }
0x58: {  	[tilespmem:s12], [sflag:$0x2] =	stream.indirect_vreg.gather [hbm4b:s7+s3], $0x80, v4, vm0, $0xb8;
	[tilespmem:$0x10200] =	vst v63  }
0x59: {  	s11 =	simm.s32 $0xA200  }
0x5a: {  	[tilespmem:s11], [sflag:$0x2] =	stream.indirect_vreg.gather [hbm4b:s1+s3], $0x80, v3, vm0, $0xb8;
	[tilespmem:$0x10200] =	vst v63  }
0x5b: {  	s12 =	simm.s32 $0xAA00  }
0x5c: {  	[tilespmem:s12], [sflag:$0x2] =	stream.indirect_vreg.gather [hbm4b:s5+s3], $0x80, v3, vm0, $0xb8;
	[tilespmem:$0x10200] =	vst v63  }
0x5d: {  	s13 =	simm.s32 $0xB200  }
0x5e: {  	[tilespmem:s13], [sflag:$0x2] =	stream.indirect_vreg.gather [hbm4b:s6+s3], $0x80, v3, vm0, $0xb8;
	[tilespmem:$0x10200] =	vst v63  }
0x5f: {  	s14 =	simm.s32 $0xBA00  }
0x60: {  	[tilespmem:s14], [sflag:$0x2] =	stream.indirect_vreg.gather [hbm4b:s7+s3], $0x80, v3, vm0, $0xb8;
	[tilespmem:$0x10200] =	vst v63  }
0x61: {  	v3 =	vld [tilespmem:$0x30];
	_ =	sdelay $0x4  }
0x62: {  	v63 =	vshll.u32 v3, $0x3  }
0x63: {  	v3 =	vand.u32 $0x7, v3;
	v4 =	vand.u32 $0xFFFFFFC0, v63  }
0x64: {  	v3 =	vor.u32 v3, v4  }
0x65: {  	v4 =	vperm.xlane v3, v0;
	_ =	sdelay $0x1  }
0x66: {  	v4 =	vadd.s32 v1, v4;
	_ =	sdelay $0x3  }
0x67: {  	s15 =	simm.s32 $0xC200  }
0x68: {  	[tilespmem:s15], [sflag:$0x2] =	stream.indirect_vreg.gather [hbm4b:s1+s3], $0x80, v4, vm0, $0xb8;
	[tilespmem:$0x10200] =	vst v63  }
0x69: {  	s16 =	simm.s32 $0xCA00;
	v3 =	vperm.xlane v3, v2  }
0x6a: {  	[tilespmem:s16], [sflag:$0x2] =	stream.indirect_vreg.gather [hbm4b:s5+s3], $0x80, v4, vm0, $0xb8;
	[tilespmem:$0x10200] =	vst v63  }
0x6b: {  	s24 =	simm.s32 $0xEA00;
	s17 =	simm.s32 $0xD200;
	v3 =	vadd.s32 v1, v3  }
0x6c: {  	[tilespmem:s17], [sflag:$0x2] =	stream.indirect_vreg.gather [hbm4b:s6+s3], $0x80, v4, vm0, $0xb8;
	[tilespmem:$0x10200] =	vst v63  }
0x6d: {  	s25 =	simm.s32 $0xF200;
	s26 =	simm.s32 $0xFA00;
	s18 =	simm.s32 $0xDA00  }
0x6e: {  	[tilespmem:s18], [sflag:$0x2] =	stream.indirect_vreg.gather [hbm4b:s7+s3], $0x80, v4, vm0, $0xb8;
	[tilespmem:$0x10200] =	vst v63  }
0x6f: {  	s28 =	simm.s32 $0xA00;
	s30 =	simm.s32 $0x200;
	s19 =	simm.s32 $0xE200  }
0x70: {  	[tilespmem:s19], [sflag:$0x2] =	stream.indirect_vreg.gather [hbm4b:s1+s3], $0x80, v3, vm0, $0xb8;
	[tilespmem:$0x10200] =	vst v63  }
0x71: {  	s2 =	simm.s32 $0x2A00;
	s4 =	simm.s32 $0x3A00;
	s9 =	simm.s32 $0x4200  }
0x72: {  	[tilespmem:s24], [sflag:$0x2] =	stream.indirect_vreg.gather [hbm4b:s5+s3], $0x80, v3, vm0, $0xb8;
	[tilespmem:$0x10200] =	vst v63  }
0x73: {  	s10 =	simm.s32 $0x4A00;
	s8 =	simm.s32 $0x5200;
	s11 =	simm.s32 $0x3200  }
0x74: {  	[tilespmem:s25], [sflag:$0x2] =	stream.indirect_vreg.gather [hbm4b:s6+s3], $0x80, v3, vm0, $0xb8;
	[tilespmem:$0x10200] =	vst v63  }
0x75: {  	s12 =	simm.s32 $0x9A00;
	s13 =	simm.s32 $0x5A00;
	s14 =	simm.s32 $0x6200  }
0x76: {  	[tilespmem:s26], [sflag:$0x2] =	stream.indirect_vreg.gather [hbm4b:s7+s3], $0x80, v3, vm0, $0xb8;
	[tilespmem:$0x10200] =	vst v63  }
0x77: {  	s15 =	simm.s32 $0x6A00;
	s16 =	simm.s32 $0x7200;
	_ =	swait.ge [sflag:s20], $0x8000  }
0x78: {  	s17 =	simm.s32 $0x7A00;
	s18 =	simm.s32 $0x8A00;
	[sflag:s20] =	ssyncset.done $0x0  }
0x79: {  	s19 =	simm.s32 $0x9200;
	s29 =	rddreg [dreg:$0x7];
	[sflag:s20] =	ssyncadd.s32 $0xFFFF8000  }
0x7a: {  	[hbm4b:s29+s3] =	stream.linear.scatter [tilespmem:s31], [sflag:$0x3], $0x8000, $0x38;
	[tilespmem:$0x10200] =	vst v63  }
0x7b: {  	s24 =	simm.s32 $0x70;
	s25 =	simm.s32 $0x0;
	s31 =	simm.s32 $0x1A00  }
.LBB2_2:
0x7c: {  	_ =	swait.ge [sflag:s21], $0x8000  }
0x7d: {  	s26 =	rddreg [dreg:$0x4];
	[sflag:s21] =	ssyncset.done $0x0  }
0x7e: {  	s29 =	simm.s32 $0x8200;
	[sflag:s21] =	ssyncadd.s32 $0xFFFF8000;
	s26 =	sadd.s32 s25, s26  }
0x7f: {  	[hbm4b:s26+s3] =	stream.linear.scatter [tilespmem:s29], [sflag:$0x4], $0x8000, $0x38;
	[tilespmem:$0x10200] =	vst v63  }
0x80: {  	_ =	swait.ge [sflag:s22], $0x8000  }
0x81: {  	[sflag:s22] =	ssyncset.done $0x0  }
0x82: {  	[sflag:s22] =	ssyncadd.s32 $0xFFFF8000  }
0x83: {  	v3 =	vld [tilespmem:s24+$0xFFFFFFD0];
	_ =	sdelay $0x4  }
0x84: {  	v4 =	vshll.u32 v3, $0x3  }
0x85: {  	v3 =	vand.u32 $0x7, v3;
	v4 =	vand.u32 $0xFFFFFFC0, v4  }
0x86: {  	v3 =	vor.u32 v3, v4  }
0x87: {  	v4 =	vperm.xlane v3, v0;
	_ =	sdelay $0x1  }
0x88: {  	v4 =	vadd.s32 v1, v4;
	_ =	sdelay $0x4  }
0x89: {  	[tilespmem:s30], [sflag:$0x1] =	stream.indirect_vreg.gather [hbm4b:s1+s3], $0x80, v4, vm0, $0xb8;
	[tilespmem:$0x10200] =	vst v63  }
0x8a: {  	v3 =	vperm.xlane v3, v2  }
0x8b: {  	[tilespmem:s28], [sflag:$0x1] =	stream.indirect_vreg.gather [hbm4b:s5+s3], $0x80, v4, vm0, $0xb8;
	[tilespmem:$0x10200] =	vst v63  }
0x8c: {  	s0 =	simm.s32 $0x1200;
	v3 =	vadd.s32 v1, v3  }
0x8d: {  	[tilespmem:s0], [sflag:$0x1] =	stream.indirect_vreg.gather [hbm4b:s6+s3], $0x80, v4, vm0, $0xb8;
	[tilespmem:$0x10200] =	vst v63  }
0x8e: {  	_ = 	snop  }
0x8f: {  	[tilespmem:s31], [sflag:$0x1] =	stream.indirect_vreg.gather [hbm4b:s7+s3], $0x80, v4, vm0, $0xb8;
	[tilespmem:$0x10200] =	vst v63  }
0x90: {  	s26 =	simm.s32 $0x2200  }
0x91: {  	[tilespmem:s26], [sflag:$0x1] =	stream.indirect_vreg.gather [hbm4b:s1+s3], $0x80, v3, vm0, $0xb8;
	[tilespmem:$0x10200] =	vst v63  }
0x92: {  	_ = 	snop  }
0x93: {  	[tilespmem:s2], [sflag:$0x1] =	stream.indirect_vreg.gather [hbm4b:s5+s3], $0x80, v3, vm0, $0xb8;
	[tilespmem:$0x10200] =	vst v63  }
0x94: {  	_ = 	snop  }
0x95: {  	[tilespmem:s11], [sflag:$0x1] =	stream.indirect_vreg.gather [hbm4b:s6+s3], $0x80, v3, vm0, $0xb8;
	[tilespmem:$0x10200] =	vst v63  }
0x96: {  	_ = 	snop  }
0x97: {  	[tilespmem:s4], [sflag:$0x1] =	stream.indirect_vreg.gather [hbm4b:s7+s3], $0x80, v3, vm0, $0xb8;
	[tilespmem:$0x10200] =	vst v63  }
0x98: {  	v3 =	vld [tilespmem:s24+$0xFFFFFFE0];
	_ =	sdelay $0x4  }
0x99: {  	v61 =	vshll.u32 v3, $0x3  }
0x9a: {  	v3 =	vand.u32 $0x7, v3;
	v4 =	vand.u32 $0xFFFFFFC0, v61  }
0x9b: {  	v3 =	vor.u32 v3, v4  }
0x9c: {  	v4 =	vperm.xlane v3, v0;
	_ =	sdelay $0x1  }
0x9d: {  	v4 =	vadd.s32 v1, v4;
	_ =	sdelay $0x4  }
0x9e: {  	[tilespmem:s9], [sflag:$0x1] =	stream.indirect_vreg.gather [hbm4b:s1+s3], $0x80, v4, vm0, $0xb8;
	[tilespmem:$0x10200] =	vst v63  }
0x9f: {  	v3 =	vperm.xlane v3, v2  }
0xa0: {  	[tilespmem:s10], [sflag:$0x1] =	stream.indirect_vreg.gather [hbm4b:s5+s3], $0x80, v4, vm0, $0xb8;
	[tilespmem:$0x10200] =	vst v63  }
0xa1: {  	v3 =	vadd.s32 v1, v3  }
0xa2: {  	[tilespmem:s8], [sflag:$0x1] =	stream.indirect_vreg.gather [hbm4b:s6+s3], $0x80, v4, vm0, $0xb8;
	[tilespmem:$0x10200] =	vst v63  }
0xa3: {  	_ = 	snop  }
0xa4: {  	[tilespmem:s13], [sflag:$0x1] =	stream.indirect_vreg.gather [hbm4b:s7+s3], $0x80, v4, vm0, $0xb8;
	[tilespmem:$0x10200] =	vst v63  }
0xa5: {  	_ = 	snop  }
0xa6: {  	[tilespmem:s14], [sflag:$0x1] =	stream.indirect_vreg.gather [hbm4b:s1+s3], $0x80, v3, vm0, $0xb8;
	[tilespmem:$0x10200] =	vst v63  }
0xa7: {  	_ = 	snop  }
0xa8: {  	[tilespmem:s15], [sflag:$0x1] =	stream.indirect_vreg.gather [hbm4b:s5+s3], $0x80, v3, vm0, $0xb8;
	[tilespmem:$0x10200] =	vst v63  }
0xa9: {  	_ = 	snop  }
0xaa: {  	[tilespmem:s16], [sflag:$0x1] =	stream.indirect_vreg.gather [hbm4b:s6+s3], $0x80, v3, vm0, $0xb8;
	[tilespmem:$0x10200] =	vst v63  }
0xab: {  	_ = 	snop  }
0xac: {  	[tilespmem:s17], [sflag:$0x1] =	stream.indirect_vreg.gather [hbm4b:s7+s3], $0x80, v3, vm0, $0xb8;
	[tilespmem:$0x10200] =	vst v63  }
0xad: {  	_ =	swait.ge [sflag:s23], $0x8000  }
0xae: {  	[sflag:s23] =	ssyncset.done $0x0  }
0xaf: {  	[sflag:s23] =	ssyncadd.s32 $0xFFFF8000  }
0xb0: {  	v3 =	vld [tilespmem:s24+$0xFFFFFFF0];
	_ =	sdelay $0x4  }
0xb1: {  	v62 =	vshll.u32 v3, $0x3  }
0xb2: {  	v3 =	vand.u32 $0x7, v3;
	v4 =	vand.u32 $0xFFFFFFC0, v62  }
0xb3: {  	v3 =	vor.u32 v3, v4  }
0xb4: {  	v4 =	vperm.xlane v3, v0;
	_ =	sdelay $0x1  }
0xb5: {  	v4 =	vadd.s32 v1, v4;
	_ =	sdelay $0x4  }
0xb6: {  	[tilespmem:s29], [sflag:$0x2] =	stream.indirect_vreg.gather [hbm4b:s1+s3], $0x80, v4, vm0, $0xb8;
	[tilespmem:$0x10200] =	vst v63  }
0xb7: {  	v3 =	vperm.xlane v3, v2  }
0xb8: {  	[tilespmem:s18], [sflag:$0x2] =	stream.indirect_vreg.gather [hbm4b:s5+s3], $0x80, v4, vm0, $0xb8;
	[tilespmem:$0x10200] =	vst v63  }
0xb9: {  	v3 =	vadd.s32 v1, v3  }
0xba: {  	[tilespmem:s19], [sflag:$0x2] =	stream.indirect_vreg.gather [hbm4b:s6+s3], $0x80, v4, vm0, $0xb8;
	[tilespmem:$0x10200] =	vst v63  }
0xbb: {  	_ = 	snop  }
0xbc: {  	[tilespmem:s12], [sflag:$0x2] =	stream.indirect_vreg.gather [hbm4b:s7+s3], $0x80, v4, vm0, $0xb8;
	[tilespmem:$0x10200] =	vst v63  }
0xbd: {  	s29 =	simm.s32 $0xA200  }
0xbe: {  	[tilespmem:s29], [sflag:$0x2] =	stream.indirect_vreg.gather [hbm4b:s1+s3], $0x80, v3, vm0, $0xb8;
	[tilespmem:$0x10200] =	vst v63  }
0xbf: {  	s29 =	simm.s32 $0xAA00  }
0xc0: {  	[tilespmem:s29], [sflag:$0x2] =	stream.indirect_vreg.gather [hbm4b:s5+s3], $0x80, v3, vm0, $0xb8;
	[tilespmem:$0x10200] =	vst v63  }
0xc1: {  	s29 =	simm.s32 $0xB200  }
0xc2: {  	[tilespmem:s29], [sflag:$0x2] =	stream.indirect_vreg.gather [hbm4b:s6+s3], $0x80, v3, vm0, $0xb8;
	[tilespmem:$0x10200] =	vst v63  }
0xc3: {  	s29 =	simm.s32 $0xBA00  }
0xc4: {  	[tilespmem:s29], [sflag:$0x2] =	stream.indirect_vreg.gather [hbm4b:s7+s3], $0x80, v3, vm0, $0xb8;
	[tilespmem:$0x10200] =	vst v63  }
0xc5: {  	v3 =	vld [tilespmem:s24+$0x0];
	_ =	sdelay $0x4  }
0xc6: {  	v63 =	vshll.u32 v3, $0x3  }
0xc7: {  	v3 =	vand.u32 $0x7, v3;
	v4 =	vand.u32 $0xFFFFFFC0, v63  }
0xc8: {  	v3 =	vor.u32 v3, v4  }
0xc9: {  	v4 =	vperm.xlane v3, v0;
	_ =	sdelay $0x1  }
0xca: {  	v4 =	vadd.s32 v1, v4;
	_ =	sdelay $0x3  }
0xcb: {  	s29 =	simm.s32 $0xC200  }
0xcc: {  	[tilespmem:s29], [sflag:$0x2] =	stream.indirect_vreg.gather [hbm4b:s1+s3], $0x80, v4, vm0, $0xb8;
	[tilespmem:$0x10200] =	vst v63  }
0xcd: {  	v3 =	vperm.xlane v3, v2;
	s29 =	simm.s32 $0xCA00  }
0xce: {  	[tilespmem:s29], [sflag:$0x2] =	stream.indirect_vreg.gather [hbm4b:s5+s3], $0x80, v4, vm0, $0xb8;
	[tilespmem:$0x10200] =	vst v63  }
0xcf: {  	v3 =	vadd.s32 v1, v3;
	s29 =	simm.s32 $0xD200  }
0xd0: {  	[tilespmem:s29], [sflag:$0x2] =	stream.indirect_vreg.gather [hbm4b:s6+s3], $0x80, v4, vm0, $0xb8;
	[tilespmem:$0x10200] =	vst v63  }
0xd1: {  	s29 =	simm.s32 $0xDA00  }
0xd2: {  	[tilespmem:s29], [sflag:$0x2] =	stream.indirect_vreg.gather [hbm4b:s7+s3], $0x80, v4, vm0, $0xb8;
	[tilespmem:$0x10200] =	vst v63  }
0xd3: {  	s29 =	simm.s32 $0xE200  }
0xd4: {  	[tilespmem:s29], [sflag:$0x2] =	stream.indirect_vreg.gather [hbm4b:s1+s3], $0x80, v3, vm0, $0xb8;
	[tilespmem:$0x10200] =	vst v63  }
0xd5: {  	s29 =	simm.s32 $0xEA00  }
0xd6: {  	[tilespmem:s29], [sflag:$0x2] =	stream.indirect_vreg.gather [hbm4b:s5+s3], $0x80, v3, vm0, $0xb8;
	[tilespmem:$0x10200] =	vst v63  }
0xd7: {  	s29 =	simm.s32 $0xF200  }
0xd8: {  	[tilespmem:s29], [sflag:$0x2] =	stream.indirect_vreg.gather [hbm4b:s6+s3], $0x80, v3, vm0, $0xb8;
	[tilespmem:$0x10200] =	vst v63  }
0xd9: {  	p0 =	sne.s32 s25, $0xC000;
	s29 =	simm.s32 $0xFA00  }
0xda: {  	[tilespmem:s29], [sflag:$0x2] =	stream.indirect_vreg.gather [hbm4b:s7+s3], $0x80, v3, vm0, $0xb8;
	[tilespmem:$0x10200] =	vst v63  }
.Ltmp0:
0xdb: {  	_ = 	snop;
	(pc) =	sbr.rel @p0 .LBB2_2-.Ltmp0, $4  }
0xdc: {  	s0 =	simm.s32 $0x8200;
	_ =	swait.ge [sflag:s20], $0x8000  }
0xdd: {  	s24 =	sadd.s32 $0x40, s24;
	s29 =	rddreg [dreg:$0x5];
	[sflag:s20] =	ssyncset.done $0x0  }
0xde: {  	[sflag:s20] =	ssyncadd.s32 $0xFFFF8000;
	s26 =	sadd.s32 s25, s29;
	s25 =	sadd.s32 $0x2000, s25  }
0xdf: {  	[hbm4b:s26+s3] =	stream.linear.scatter [tilespmem:s30], [sflag:$0x3], $0x8000, $0x38;
	[tilespmem:$0x10200] =	vst v63  }
0xe0: {  	_ =	swait.ge [sflag:s21], $0x8000  }
0xe1: {  	[sflag:s21] =	ssyncset.done $0x0  }
0xe2: {  	s24 =	rddreg [dreg:$0x8];
	[sflag:s21] =	ssyncadd.s32 $0xFFFF8000  }
0xe3: {  	[hbm4b:s24+s3] =	stream.linear.scatter [tilespmem:s0], [sflag:$0x4], $0x8000, $0x38;
	[tilespmem:$0x10200] =	vst v63  }
0xe4: {  	_ =	swait.ge [sflag:s22], $0x8000  }
0xe5: {  	[sflag:s22] =	ssyncset.done $0x0  }
0xe6: {  	[sflag:s22] =	ssyncadd.s32 $0xFFFF8000  }
0xe7: {  	s28 =	simm.s32 $0x1200;
	s29 =	simm.s32 $0x1A00;
	_ =	swait.ge [sflag:s23], $0x8000  }
0xe8: {  	s30 =	simm.s32 $0x2200;
	s2 =	simm.s32 $0x2A00;
	s25 =	rddreg [dreg:$0xa]  }
0xe9: {  	s11 =	simm.s32 $0x3200;
	s26 =	rddreg [dreg:$0x9];
	s25 =	sadd.s32 $0x1, s25  }
0xea: {  	s4 =	simm.s32 $0x3A00;
	s9 =	simm.s32 $0x4200;
	p0 =	sne.s32 s25, s26  }
.Ltmp1:
0xeb: {  	s10 =	simm.s32 $0x4A00;
	s8 =	simm.s32 $0x5200;
	(pc) =	sbr.rel @p0 .LBB2_1-.Ltmp1, $4  }
0xec: {  	s13 =	simm.s32 $0x5A00;
	s14 =	simm.s32 $0x6200;
	s15 =	simm.s32 $0x6A00  }
0xed: {  	s16 =	simm.s32 $0x7200;
	s17 =	simm.s32 $0x7A00;
	s18 =	simm.s32 $0x8A00  }
0xee: {  	s19 =	simm.s32 $0x9200;
	s12 =	simm.s32 $0x9A00;
	[sflag:s23] =	ssyncset.done $0x0  }
0xef: {  	s31 =	simm.s32 $0x200;
	[sflag:s23] =	ssyncadd.s32 $0xFFFF8000;
	s26 =	simm.s32 $0xA00  }
0xf0: {  	_ =	sfence.sel $0x180000  }
0xf1: {  	[bflag:$0x0] =	sbarrier.arrive $0xFFFF  }
0xf2: {  	_ =	strace $0x90000047  }
0xf3: {  	s0 =	stileid.u32;
	[bflag:$0x2] =	sbarrier.arrive $0xFFFF  }
0xf4: {  	p0 =	sne.s32 s0, $0x0;
	s0 =	rddreg [dreg:$0x3]  }
0xf5: {  	s0 =	sadd.s32 @!p0 $0x100000, s0  }
0xf6: {  	[sflag:s0] =	ssyncadd.tile.s32 @!p0 $0x1;
	_ =	shalt  }
.Lfunc_end2:
_tile_overlayer_lowered:
.L_overlay_start_2:
0xf7: {  	(tag) =	ssettag $0x2  }
0xf8: {  	s0 =	rddreg [dreg:$0x0];
	s2 =	stileid.u32  }
0xf9: {  	s1 =	rddreg [dreg:$0x1];
	p0 =	sne.s32 s2, $0x0  }
0xfa: {  	s3 =	rddreg [dreg:$0x2];
	[bflag:$0x3] =	sbarrier.arrive $0xFFFF;
	s2 =	simm.s32 @!p0 $0x1C05  }
0xfb: {  	[timem:s3], [sflag:s2] =	dma.local @!p0 [hbm:s0], s1  }
0xfc: {  	s0 =	simm.s32 @!p0 $0x5  }
0xfd: {  	_ =	swait.ge @!p0 [sflag:s0], s1  }
0xfe: {  	s1 =	ssub.s32 @!p0 $0x0, s1;
	[sflag:s0] =	ssyncset.done @!p0 $0x0  }
0xff: {  	[sflag:s0] =	ssyncadd.s32 @!p0 s1  }
0x100: {  	[bflag:$0x3] =	sbarrier.arrive $0xFFFF  }
0x101: {  	_ =	shalt  }

</sc_bundles>
